<compile_context>
chip_gen: v7x
topology: tpu7x:2x2x1
jax: 0.10.2.dev20260603
libtpu: 0.0.44.dev20260713+nightly
codegen_flags: <defaults>
</compile_context>

<pallas_src>
import functools

import jax
import jax.numpy as jnp
from jax import lax
from jax.experimental import pallas as pl
from jax.experimental.pallas import tpu as pltpu
from jax.experimental.pallas import tpu_sc as plsc

_DIM = 32
_T = 2048
_NROWS = 2 * _T - 1
_VROW = _T * _DIM // 128
_NSH = 32
_WIN = 1016


def _sc_copy_kernel(tab_hbm, out_hbm, window_v, sem):
    info = plsc.get_sparse_core_info()
    ns = info.num_subcores
    rows_per_w = _T // (info.num_cores * ns)

    c = lax.axis_index("c")
    s = lax.axis_index("s")
    m = ns * c + s
    k = _NSH - 1 - m

    pltpu.sync_copy(tab_hbm.at[k, pl.ds(0, _WIN)], window_v)

    def issue(t, carry):
        v = pl.multiple_of(_WIN - _VROW - 8 * t, 8)
        pltpu.make_async_copy(
            window_v.at[pl.ds(v, _VROW)],
            out_hbm.at[m + _NSH * t],
            sem,
        ).start()
        return carry

    def drain(t, carry):
        pltpu.make_async_copy(
            window_v.at[pl.ds(0, _VROW)],
            out_hbm.at[m + _NSH * t],
            sem,
        ).wait()
        return carry

    lax.fori_loop(0, rows_per_w, issue, 0)
    lax.fori_loop(0, rows_per_w, drain, 0)


def kernel(relative_embedding, T):
    del T
    mesh = plsc.VectorSubcoreMesh(core_axis_name="c", subcore_axis_name="s")
    run = functools.partial(
        pl.kernel,
        mesh=mesh,
        out_type=jax.ShapeDtypeStruct((_T, _VROW, 128), jnp.float32),
        scratch_types=[
            pltpu.VMEM((_WIN, 128), jnp.float32),
            pltpu.SemaphoreType.DMA,
        ],
        compiler_params=pltpu.CompilerParams(use_tc_tiling_on_sc=True),
    )(_sc_copy_kernel)
    nwin = _WIN * 128 // _DIM
    tab = jnp.stack([relative_embedding[k : k + nwin] for k in range(_NSH)])
    tab = tab.reshape(_NSH, _WIN, 128)
    out = run(tab)
    return out.reshape(_T, _T, _DIM)

# --- scband reference (transcript-rebuilt; emitter-appended) ---
"""Pipeline reference for scband-relative-positional-encoding-13709535609587 (READ-ONLY COPY).

The authoritative reference and input builder live on the scoring server;
editing this copy changes nothing except your own understanding.
"""

import jax, jax.numpy as jnp
import numpy as np

MAX_LEN = 2048
DIM = 32

def setup_inputs(seed: int = 0) -> dict:
    key = jax.random.key(seed)
    relative_embedding = jax.random.normal(key, (2 * MAX_LEN - 1, DIM), dtype=jnp.float32)
    T = 2048
    return {"relative_embedding": relative_embedding, "T": T}

def reference(relative_embedding, T):
    T_static = (relative_embedding.shape[0] + 1) // 2
    pos_indices = jnp.arange(T_static)[None, :] - jnp.arange(T_static)[:, None]
    pos_indices = pos_indices + (T - T_static)
    pos_indices = jnp.clip(pos_indices, -MAX_LEN + 1, MAX_LEN - 1) + MAX_LEN - 1
    return jnp.take(relative_embedding, pos_indices, axis=0)

if __name__ == "__main__":
    import jax
    _d = setup_inputs()
    print(jax.jit(kernel)(*tuple(_d.values())))

</pallas_src>

<mosaic_0001>
#map = affine_map<(d0, d1) -> (0, 0, 0)>
module attributes {stable_mosaic.version = 14 : i64} {
  func.func @_sc_copy_kernel(%arg0: i32, %arg1: i32, %arg2: memref<32x1016x128xf32, #tpu.memory_space<hbm>>, %arg3: memref<2048x512x128xf32, #tpu.memory_space<hbm>>, %arg4: memref<1016x128xf32, #tpu.memory_space<vmem>>, %arg5: memref<!tpu.dma_semaphore, #tpu.memory_space<semaphore_mem>>) attributes {dimension_semantics = [#tpu.dimension_semantics<core_parallel>, #tpu.dimension_semantics<subcore_parallel>], iteration_bounds = array<i64: 2, 16>, scalar_prefetch = 0 : i64, scratch_operands = 2 : i64, tpu.core_type = #tpu.core_type<sc_vector_subcore>, window_params = [{transform_indices = #map}, {transform_indices = #map}]} {
    %mul3A = arith.constant 16 : i32
    %mul3A_0 = arith.muli %mul3A, %arg0 : i32
    %add3A = arith.addi %mul3A_0, %arg1 : i32
    %sub3A = arith.constant 31 : i32
    %sub3A_1 = arith.subi %sub3A, %add3A : i32
    "tpu.region"() ({
      %run_scoped3A = tpu.sem_alloc : memref<!tpu.dma_semaphore, #tpu.memory_space<semaphore_mem>>
      %dma_start3A = arith.constant 0 : i32
      %dma_start3A_13 = arith.constant 0 : i32
      %dma_start3A_14 = tpu.memref_slice %arg2[%sub3A_1, %dma_start3A, %dma_start3A_13] : memref<32x1016x128xf32, #tpu.memory_space<hbm>> -> memref<1x1016x128xf32, #tpu.memory_space<hbm>>
      %dma_start3A_15 = tpu.memref_squeeze %dma_start3A_14 : memref<1x1016x128xf32, #tpu.memory_space<hbm>> -> memref<1016x128xf32, #tpu.memory_space<hbm>>
      %dma_start3A_16 = arith.constant 0 : i32
      %dma_start3A_17 = arith.constant 0 : i32
      %dma_start3A_18 = tpu.memref_slice %arg2[%sub3A_1, %dma_start3A_16, %dma_start3A_17] : memref<32x1016x128xf32, #tpu.memory_space<hbm>> -> memref<1x1016x128xf32, #tpu.memory_space<hbm>>
      %dma_start3A_19 = tpu.memref_squeeze %dma_start3A_18 : memref<1x1016x128xf32, #tpu.memory_space<hbm>> -> memref<1016x128xf32, #tpu.memory_space<hbm>>
      tpu.enqueue_dma source(%dma_start3A_19 : memref<1016x128xf32, #tpu.memory_space<hbm>>) target(%arg4 : memref<1016x128xf32, #tpu.memory_space<vmem>>) target_semaphore(%run_scoped3A : memref<!tpu.dma_semaphore, #tpu.memory_space<semaphore_mem>>)
      %dma_wait3A = arith.constant 0 : i32
      %dma_wait3A_20 = arith.constant 0 : i32
      %dma_wait3A_21 = tpu.memref_slice %arg2[%sub3A_1, %dma_wait3A, %dma_wait3A_20] : memref<32x1016x128xf32, #tpu.memory_space<hbm>> -> memref<1x1016x128xf32, #tpu.memory_space<hbm>>
      %dma_wait3A_22 = tpu.memref_squeeze %dma_wait3A_21 : memref<1x1016x128xf32, #tpu.memory_space<hbm>> -> memref<1016x128xf32, #tpu.memory_space<hbm>>
      %dma_wait3A_23 = arith.constant 0 : i32
      %dma_wait3A_24 = arith.constant 0 : i32
      %dma_wait3A_25 = tpu.memref_slice %arg2[%sub3A_1, %dma_wait3A_23, %dma_wait3A_24] : memref<32x1016x128xf32, #tpu.memory_space<hbm>> -> memref<1x1016x128xf32, #tpu.memory_space<hbm>>
      %dma_wait3A_26 = tpu.memref_squeeze %dma_wait3A_25 : memref<1x1016x128xf32, #tpu.memory_space<hbm>> -> memref<1016x128xf32, #tpu.memory_space<hbm>>
      tpu.wait_dma2 semaphore(%run_scoped3A : memref<!tpu.dma_semaphore, #tpu.memory_space<semaphore_mem>>) src(%dma_wait3A_26 : memref<1016x128xf32, #tpu.memory_space<hbm>>) dst(%arg4 : memref<1016x128xf32, #tpu.memory_space<vmem>>)
      tpu.yield
    }) : () -> ()
    %scan3A = arith.constant 0 : i32
    %scan3A_2 = arith.constant 0 : i32
    %scan3A_3 = arith.constant 64 : i32
    %scan3A_4 = arith.addi %scan3A_2, %scan3A_3 : i32
    %scan3A_5 = arith.constant 1 : i32
    scf.for %scan3A_13 = %scan3A_2 to %scan3A_4 step %scan3A_5  : i32 {
      %mul3A_14 = arith.constant 8 : i32
      %mul3A_15 = arith.muli %mul3A_14, %scan3A_13 : i32
      %sub3A_16 = arith.constant 504 : i32
      %sub3A_17 = arith.subi %sub3A_16, %mul3A_15 : i32
      %multiple_of3A = tpu.assume_multiple %sub3A_17, 8 : i32
      %mul3A_18 = arith.constant 32 : i32
      %mul3A_19 = arith.muli %mul3A_18, %scan3A_13 : i32
      %add3A_20 = arith.addi %add3A, %mul3A_19 : i32
      %dma_start3A = arith.constant 0 : i32
      %dma_start3A_21 = tpu.memref_slice %arg4[%multiple_of3A, %dma_start3A] : memref<1016x128xf32, #tpu.memory_space<vmem>> -> memref<512x128xf32, #tpu.memory_space<vmem>>
      %dma_start3A_22 = arith.constant 0 : i32
      %dma_start3A_23 = arith.constant 0 : i32
      %dma_start3A_24 = tpu.memref_slice %arg3[%add3A_20, %dma_start3A_22, %dma_start3A_23] : memref<2048x512x128xf32, #tpu.memory_space<hbm>> -> memref<1x512x128xf32, #tpu.memory_space<hbm>>
      %dma_start3A_25 = tpu.memref_squeeze %dma_start3A_24 : memref<1x512x128xf32, #tpu.memory_space<hbm>> -> memref<512x128xf32, #tpu.memory_space<hbm>>
      %dma_start3A_26 = arith.constant 0 : i32
      %dma_start3A_27 = arith.constant 0 : i32
      %dma_start3A_28 = tpu.memref_slice %arg3[%add3A_20, %dma_start3A_26, %dma_start3A_27] : memref<2048x512x128xf32, #tpu.memory_space<hbm>> -> memref<1x512x128xf32, #tpu.memory_space<hbm>>
      %dma_start3A_29 = tpu.memref_squeeze %dma_start3A_28 : memref<1x512x128xf32, #tpu.memory_space<hbm>> -> memref<512x128xf32, #tpu.memory_space<hbm>>
      %dma_start3A_30 = arith.constant 0 : i32
      %dma_start3A_31 = tpu.memref_slice %arg4[%multiple_of3A, %dma_start3A_30] : memref<1016x128xf32, #tpu.memory_space<vmem>> -> memref<512x128xf32, #tpu.memory_space<vmem>>
      tpu.enqueue_dma source(%dma_start3A_31 : memref<512x128xf32, #tpu.memory_space<vmem>>) target(%dma_start3A_29 : memref<512x128xf32, #tpu.memory_space<hbm>>) target_semaphore(%arg5 : memref<!tpu.dma_semaphore, #tpu.memory_space<semaphore_mem>>)
    }
    %scan3A_6 = arith.constant 64 : i32
    %scan3A_7 = arith.constant 0 : i32
    %scan3A_8 = arith.constant 0 : i32
    %scan3A_9 = arith.constant 64 : i32
    %scan3A_10 = arith.addi %scan3A_8, %scan3A_9 : i32
    %scan3A_11 = arith.constant 1 : i32
    scf.for %scan3A_13 = %scan3A_8 to %scan3A_10 step %scan3A_11  : i32 {
      %mul3A_14 = arith.constant 32 : i32
      %mul3A_15 = arith.muli %mul3A_14, %scan3A_13 : i32
      %add3A_16 = arith.addi %add3A, %mul3A_15 : i32
      %dma_wait3A = arith.constant 0 : i32
      %dma_wait3A_17 = arith.constant 0 : i32
      %dma_wait3A_18 = tpu.memref_slice %arg4[%dma_wait3A, %dma_wait3A_17] : memref<1016x128xf32, #tpu.memory_space<vmem>> -> memref<512x128xf32, #tpu.memory_space<vmem>>
      %dma_wait3A_19 = arith.constant 0 : i32
      %dma_wait3A_20 = arith.constant 0 : i32
      %dma_wait3A_21 = tpu.memref_slice %arg3[%add3A_16, %dma_wait3A_19, %dma_wait3A_20] : memref<2048x512x128xf32, #tpu.memory_space<hbm>> -> memref<1x512x128xf32, #tpu.memory_space<hbm>>
      %dma_wait3A_22 = tpu.memref_squeeze %dma_wait3A_21 : memref<1x512x128xf32, #tpu.memory_space<hbm>> -> memref<512x128xf32, #tpu.memory_space<hbm>>
      %dma_wait3A_23 = arith.constant 0 : i32
      %dma_wait3A_24 = arith.constant 0 : i32
      %dma_wait3A_25 = tpu.memref_slice %arg3[%add3A_16, %dma_wait3A_23, %dma_wait3A_24] : memref<2048x512x128xf32, #tpu.memory_space<hbm>> -> memref<1x512x128xf32, #tpu.memory_space<hbm>>
      %dma_wait3A_26 = tpu.memref_squeeze %dma_wait3A_25 : memref<1x512x128xf32, #tpu.memory_space<hbm>> -> memref<512x128xf32, #tpu.memory_space<hbm>>
      %dma_wait3A_27 = arith.constant 0 : i32
      %dma_wait3A_28 = arith.constant 0 : i32
      %dma_wait3A_29 = tpu.memref_slice %arg4[%dma_wait3A_27, %dma_wait3A_28] : memref<1016x128xf32, #tpu.memory_space<vmem>> -> memref<512x128xf32, #tpu.memory_space<vmem>>
      tpu.wait_dma2 semaphore(%arg5 : memref<!tpu.dma_semaphore, #tpu.memory_space<semaphore_mem>>) src(%dma_wait3A_29 : memref<512x128xf32, #tpu.memory_space<vmem>>) dst(%dma_wait3A_26 : memref<512x128xf32, #tpu.memory_space<hbm>>)
    }
    %scan3A_12 = arith.constant 64 : i32
    return
  }
}

</mosaic_0001>

<sc_bundles>
// kernel: kernel.3.cloned.1.call-start
scs
__scs_entry_jumppad:
0x0: {  	(pc) =	sbr.rel $0x88, $3  }
0x1: {  	(tag) =	ssettag $0x0;
	lr =	simm.s32 $0x1  }
0x2: {  	[smem:$0x3FA0] =	sst lr;
	_ =	strace $0xD0000000  }
0x3: {  	_ = 	snop  }
0x4: {  	_ = 	snop  }
0x5: {  	_ = 	snop  }
0x6: {  	_ = 	snop  }
0x7: {  	_ = 	snop  }
__scs_overlays_trampoline_lowered:
0x8: {  	[smem:$0x3FAF] =	sst s0  }
0x9: {  	[smem:$0x3FB0] =	sst s1  }
0xa: {  	[smem:$0x3FB1] =	sst s2  }
0xb: {  	[smem:$0x3FB2] =	sst s3  }
0xc: {  	[smem:$0x3FB3] =	sst s4  }
0xd: {  	[smem:$0x3FB4] =	sst s5  }
0xe: {  	[smem:$0x3FB5] =	sst s6  }
0xf: {  	[smem:$0x3FB6] =	sst s7  }
0x10: {  	[smem:$0x3FB7] =	sst s8  }
0x11: {  	[smem:$0x3FB8] =	sst s9;
	s0 =	simm.s32 @!p0 $0x0  }
0x12: {  	s1 =	sld [smem:$0x3F9E];
	s0 =	simm.s32 @p0 $0x1  }
0x13: {  	[smem:$0x3FB9] =	sst s0;
	s0 =	simm.s32 @!p1 $0x0  }
0x14: {  	s2 =	sld [smem:$0x3F9D];
	s0 =	simm.s32 @p1 $0x1  }
0x15: {  	[smem:$0x3FBA] =	sst s0;
	s0 =	simm.s32 @!p2 $0x0  }
0x16: {  	s3 =	sld [smem:$0x3FDB];
	s0 =	simm.s32 @p2 $0x1  }
0x17: {  	s4 =	simm.s32 $0x1BF5;
	[smem:$0x3FBC] =	sst s0  }
0x18: {  	s0 =	sld [smem:$0x3F9F];
	_ =	swait.ge [sflag:s4], $0x0  }
0x19: {  	s7 =	sld [smem:$0x3FA0]  }
0x1a: {  	s8 =	sadd.s32 $0xFFFFE003, lr  }
0x1b: {  	s9 =	sadd.s32 $0xFFFFFEF7, lr;
	s5 =	simm.s32 $0xFFFFFFFF;
	p2 =	slt.u32 s8, $0xFFFFF086  }
0x1c: {  	p1 =	slt.u32 s9, $0xF7A;
	s5 =	simm.s32 @!p2 $0x0  }
0x1d: {  	s5 =	simm.s32 @p1 $0x1;
	p0 =	seq.s32 s7, s2  }
0x1e: {  	s7 =	smul.u32 @!p0 $0xF7A, s2;
	p2 =	seq.s32 @!p0 s5, $0x0  }
0x1f: {  	s9 =	smul.u32 $0xF7A, s1;
	s8 =	simm.s32 @!p0 $0x1BF5;
	p2 =	por !p2, p0  }
0x20: {  	[sflag:s8] =	ssyncset.s32 @!p0 $0xFFFFF086;
	s6 =	sadd.s32 @!p0 s3, s7;
	s7 =	simm.s32 @!p0 $0x108  }
0x21: {  	s3 =	sadd.s32 s3, s9;
	s6 =	sadd.s32 @!p0 $0x88, s6;
	s7 =	simm.s32 @p2 $0x1082  }
0x22: {  	[simem:s7], [sflag:s8] =	dma.local @!p0 [hbm:s6], $0xF7A  }
0x23: {  	s9 =	sor.u32 $0xD0000000, s2;
	s6 =	simm.s32 $0x108;
	_ =	swait.ge @!p0 [sflag:s8], $0x0  }
0x24: {  	s3 =	sadd.s32 $0x88, s3;
	s6 =	simm.s32 @!p1 $0x1082;
	[sflag:s4] =	ssyncset.s32 $0xFFFFF086  }
0x25: {  	[simem:s6], [sflag:s4] =	dma.local [hbm:s3], $0xF7A  }
0x26: {  	[smem:$0x3FA0] =	sst s1;
	(tag) =	ssettag s2;
	_ =	strace s9  }
0x27: {  	s1 =	sld [smem:$0x3FB0]  }
0x28: {  	s2 =	sld [smem:$0x3FB1]  }
0x29: {  	s4 =	sld [smem:$0x3FB3]  }
0x2a: {  	p0 =	seq.s32 s5, $0x0;
	s5 =	sld [smem:$0x3FB4]  }
0x2b: {  	s6 =	sld [smem:$0x3FB5]  }
0x2c: {  	s7 =	sld [smem:$0x3FB6]  }
0x2d: {  	s3 =	simm.s32 $0x108;
	s8 =	sld [smem:$0x3FB7]  }
0x2e: {  	s3 =	simm.s32 @!p0 $0x1082;
	s9 =	sld [smem:$0x3FB8]  }
0x2f: {  	lr =	sadd.s32 s0, s3;
	s0 =	sld [smem:$0x3FAF]  }
0x30: {  	s3 =	sld [smem:$0x3FB2]  }
0x31: {  	[smem:$0x3FBB] =	sst s10  }
0x32: {  	s10 =	sld [smem:$0x3FB9];
	_ =	sdelay $0x3  }
0x33: {  	p0 =	seq.s32 s10, $0x1;
	s10 =	sld [smem:$0x3FBB];
	_ =	sdelay $0x3  }
0x34: {  	[smem:$0x3FBB] =	sst s10  }
0x35: {  	s10 =	sld [smem:$0x3FBA];
	_ =	sdelay $0x3  }
0x36: {  	p1 =	seq.s32 s10, $0x1;
	s10 =	sld [smem:$0x3FBB];
	_ =	sdelay $0x3  }
0x37: {  	[smem:$0x3FBB] =	sst s10  }
0x38: {  	s10 =	sld [smem:$0x3FBC]  }
0x39: {  	_ = 	snop;
	(pc) =	sbr.ind lr, $3  }
0x3a: {  	_ = 	snop  }
0x3b: {  	_ = 	snop  }
0x3c: {  	p2 =	seq.s32 s10, $0x1;
	s10 =	sld [smem:$0x3FBB]  }
0x3d: {  	_ =	shalt  }
0x3e: {  	_ =	shalt  }
0x3f: {  	_ =	shalt  }
0x40: {  	_ =	shalt  }
0x41: {  	_ =	shalt  }
0x42: {  	_ =	shalt  }
0x43: {  	_ =	shalt  }
0x44: {  	_ =	shalt  }
0x45: {  	_ =	shalt  }
0x46: {  	_ =	shalt  }
0x47: {  	_ =	shalt  }
0x48: {  	_ =	shalt  }
0x49: {  	_ =	shalt  }
0x4a: {  	_ =	shalt  }
0x4b: {  	_ =	shalt  }
0x4c: {  	_ =	shalt  }
0x4d: {  	_ =	shalt  }
0x4e: {  	_ =	shalt  }
0x4f: {  	_ =	shalt  }
0x50: {  	_ =	shalt  }
0x51: {  	_ =	shalt  }
0x52: {  	_ =	shalt  }
0x53: {  	_ =	shalt  }
0x54: {  	_ =	shalt  }
0x55: {  	_ =	shalt  }
0x56: {  	_ =	shalt  }
0x57: {  	_ =	shalt  }
0x58: {  	_ =	shalt  }
0x59: {  	_ =	shalt  }
0x5a: {  	_ =	shalt  }
0x5b: {  	_ =	shalt  }
0x5c: {  	_ =	shalt  }
0x5d: {  	_ =	shalt  }
0x5e: {  	_ =	shalt  }
0x5f: {  	_ =	shalt  }
0x60: {  	_ =	shalt  }
0x61: {  	_ =	shalt  }
0x62: {  	_ =	shalt  }
0x63: {  	_ =	shalt  }
0x64: {  	_ =	shalt  }
0x65: {  	_ =	shalt  }
0x66: {  	_ =	shalt  }
0x67: {  	_ =	shalt  }
0x68: {  	_ =	shalt  }
0x69: {  	_ =	shalt  }
0x6a: {  	_ =	shalt  }
0x6b: {  	_ =	shalt  }
0x6c: {  	_ =	shalt  }
0x6d: {  	_ =	shalt  }
0x6e: {  	_ =	shalt  }
0x6f: {  	_ =	shalt  }
0x70: {  	_ =	shalt  }
0x71: {  	_ =	shalt  }
0x72: {  	_ =	shalt  }
0x73: {  	_ =	shalt  }
0x74: {  	_ =	shalt  }
0x75: {  	_ =	shalt  }
0x76: {  	_ =	shalt  }
0x77: {  	_ =	shalt  }
0x78: {  	_ =	shalt  }
0x79: {  	_ =	shalt  }
0x7a: {  	_ =	shalt  }
0x7b: {  	_ =	shalt  }
0x7c: {  	_ =	shalt  }
0x7d: {  	_ =	shalt  }
0x7e: {  	_ =	shalt  }
0x7f: {  	_ =	shalt  }
0x80: {  	_ =	shalt  }
0x81: {  	_ =	shalt  }
0x82: {  	_ =	shalt  }
0x83: {  	_ =	shalt  }
0x84: {  	_ =	shalt  }
0x85: {  	_ =	shalt  }
0x86: {  	_ =	shalt  }
0x87: {  	_ =	shalt  }
.Lfunc_end0:
.L_simem_size_0:
called_computation.1_lowered:
.L_overlay_start_0:
0x88: {  	s2 =	sld [smem:$0x3FD9]  }
0x89: {  	s3 =	sld [smem:$0x3FFE];
	_ =	sdelay $0x1  }
0x8a: {  	s1 =	srdreg.scid  }
0x8b: {  	s0 =	sand.u32 $0x1, s1  }
0x8c: {  	s17 =	sshll.u32 s0, $0xA;
	s2 =	sadd.s32 s3, s2  }
0x8d: {  	s2 =	sadd.s32 s2, s17  }
0x8e: {  	[smem:$0x3FC7] =	sst s2  }
0x8f: {  	_ = 	snop  }
0x90: {  	s2 =	sld [smem:$0x3FD0];
	(tm) =	ssettm $0x1  }
0x91: {  	s18 =	sld [smem:$0x3FFB];
	_ =	sdelay $0x3  }
0x92: {  	_ =	strace s18  }
0x93: {  	s3 =	sld [smem:$0x3FFC];
	_ =	sdelay $0x3  }
0x94: {  	_ =	strace s3  }
0x95: {  	s3 =	sld [smem:$0x3FFD];
	_ =	sdelay $0x3  }
0x96: {  	_ =	strace s3  }
0x97: {  	_ =	strace $0x8FFFFFFF  }
0x98: {  	s19 =	sld [smem:$0x3FDB];
	_ =	sdelay $0x1  }
0x99: {  	s4 =	simm.s32 $_scs_section_size  }
0x9a: {  	s5 =	simm.s32 $_size__tile_overlayer_lowered;
	s6 =	simm.s32 $_tile_overlayer_lowered  }
0x9b: {  	s22 =	simm.s32 $0x1BFF;
	s21 =	sshll.u32 s6, $0x1;
	s3 =	sadd.s32 s4, s19  }
0x9c: {  	s7 =	simm.s32 $0x0;
	s20 =	sshll.u32 s5, $0x1;
	s5 =	sadd.s32 s21, s3  }
0x9d: {  	[timem:s7], [sflag:s22] =	dma.local [hbm:s5], s20  }
0x9e: {  	_ =	swait.ge [sflag:s22], s20  }
0x9f: {  	s4 =	ssub.s32 $0x0, s20;
	[sflag:s22] =	ssyncset.done $0x0  }
0xa0: {  	[sflag:s22] =	ssyncadd.s32 s4;
	_ =	sdelay $0x1  }
0xa1: {  	s23 =	simm.s32 $0x1B8B  }
0xa2: {  	_ =	swait.ge [sflag:s23], $0x1  }
0xa3: {  	[sflag:s23] =	ssyncset.done $0x0  }
0xa4: {  	s25 =	simm.s32 $0x1B8E;
	s24 =	sld [smem:$0x3FFE];
	[sflag:s23] =	ssyncadd.s32 $0xFFFFFFFF  }
0xa5: {  	s26 =	simm.s32 $execute0_lowered;
	[smem:$0x3FD2] =	sst s25  }
0xa6: {  	s5 =	sshll.u32 s26, $0x1;
	_ =	strace $0x80000046;
	[dreg:$0x1] =	wrdreg $0xFFFFFFFF  }
0xa7: {  	s28 =	simm.s32 $_size_execute0_lowered;
	s3 =	sadd.s32 s3, s5;
	[dreg:$0x0] =	wrdreg $0x0  }
0xa8: {  	s5 =	sshll.u32 s28, $0x1;
	[dreg:$0x2] =	wrdreg s3  }
0xa9: {  	[dreg:$0x3] =	wrdreg s5  }
0xaa: {  	[dreg:$0x4] =	wrdreg $0xC0  }
0xab: {  	_ =	task [dreg:s7], $0x5FFFF  }
0xac: {  	[dreg:$0x1] =	wrdreg $0xFFFFFFFF  }
0xad: {  	[dreg:$0x0] =	wrdreg $0x60  }
0xae: {  	[dreg:$0x2] =	wrdreg s24  }
0xaf: {  	[dreg:$0x3] =	wrdreg s2  }
0xb0: {  	[dreg:$0x4] =	wrdreg $0x9  }
0xb1: {  	_ =	task.clear_ibuf [dreg:s7], $0x5FFFF;
	_ =	strace $0x90000046  }
0xb2: {  	s29 =	simm.s32 $0x9;
	_ =	strace $0x80000048  }
0xb3: {  	_ =	swait.ge [sflag:s29], $0x1  }
0xb4: {  	[sflag:s29] =	ssyncadd.s32 $0xFFFFFFFF  }
0xb5: {  	_ =	strace $0x90000048  }
0xb6: {  	_ =	sfence  }
0xb7: {  	s30 =	sld [smem:$0x0];
	_ =	sdelay $0x2  }
0xb8: {  	s31 =	sshll.u32 s1, $0xD;
	s1 =	sshrl.u32 s1, $0x2  }
0xb9: {  	s3 =	sand.u32 $0x4000, s31;
	s1 =	sadd.s32 s1, s30  }
0xba: {  	s0 =	sor.u32 s3, s0;
	s1 =	sshll.u32 s1, $0x11  }
0xbb: {  	s0 =	sor.u32 s1, s0  }
0xbc: {  	s0 =	sadd.s32 $0x8F2B, s0  }
0xbd: {  	[sflag:s0] =	ssyncadd.remote.s32 $0x1  }
0xbe: {  	_ =	sfence.sel $0xFFFF  }
0xbf: {  	[dreg:$0x0] =	wrdreg $0xFFFFFFFF;
	(pc) =	sbr.abs _section_cstart, $3  }
0xc0: {  	[dreg:$0x1] =	wrdreg $0xFFFFFFFF  }
0xc1: {  	_ =	task.clear_ibuf [dreg:s7], $0x2FFFF;
	_ =	strace $0x9FFFFFFF  }
0xc2: {  	(tm) =	ssettm $0x7FFFFFFF  }
0xc3: {  	_ =	shalt  }
tec
execute0_lowered:
.L_overlay_start_1:
0x0: {  	(tag) =	ssettag $0x1  }
0x1: {  	s0 =	srdreg.scid;
	s4 =	rddreg [dreg:$0x0]  }
0x2: {  	s5 =	rddreg [dreg:$0x1];
	s2 =	simm.s32 $0x0;
	s3 =	sand.u32 $0x1, s0  }
0x3: {  	s8 =	simm.s32 $0x0;
	s0 =	stileid.u32;
	s1 =	sshll.u32 s3, $0x4  }
0x4: {  	[smem:$0x7FF] =	sst s2;
	s7 =	ssub.s32 $0x2, s3;
	s6 =	sor.u32 s0, s1  }
0x5: {  	s3 =	sshll.u32 s3, $0x11;
	s31 =	sshll.u32 s0, $0xD;
	s6 =	sxor.u32 $0x1F, s6  }
0x6: {  	s1 =	rddreg [dreg:$0x2];
	s5 =	sadd.s32 s3, s5;
	s6 =	smul.u32 $0x3F80, s6  }
0x7: {  	_ =	strace $0x80000047;
	s30 =	sshrl.u32 s7, $0x1;
	s5 =	sadd.s32 s31, s5  }
0x8: {  	s4 =	sadd.s32 s6, s4;
	s6 =	ssub.s32 s7, s30;
	s7 =	simm.s32 $0x1  }
0x9: {  	s3 =	sadd.s32 $0x1000, s4;
	s4 =	smax.u32 s6, $0x1;
	s6 =	simm.s32 $0x2  }
.LBB2_1:
0xa: {  	[tilespmem:s2], [sflag:$0x2] =	stream.linear.gather [hbm4b:s3+s2], $0x1FC00, $0x38;
	[tilespmem:$0x1FC00] =	vst v63  }
0xb: {  	_ =	swait.ge [sflag:s6], $0x1FC00  }
0xc: {  	[sflag:s6] =	ssyncset.done $0x0  }
0xd: {  	s9 =	simm.s32 $0x3F000;
	s10 =	smov.u32 s5;
	[sflag:s6] =	ssyncadd.s32 $0xFFFE0400  }
.LBB2_2:
0xe: {  	p0 =	sne.s32 s9, $0x0  }
.Ltmp0:
0xf: {  	_ = 	snop;
	(pc) =	sbr.rel @p0 .LBB2_2-.Ltmp0, $4  }
0x10: {  	_ = 	snop  }
0x11: {  	s11 =	sshra.s32 s9, $0x2  }
0x12: {  	[hbm4b:s10+s2] =	stream.linear.scatter [tilespmem:s11], [sflag:$0x1], $0x10000, $0x38;
	[tilespmem:$0x1FC00] =	vst v63  }
0x13: {  	s9 =	sadd.s32 $0xFFFFF000, s9;
	s10 =	sadd.s32 $0x40000, s10  }
0x14: {  	_ =	swait.ge [sflag:s7], $0x10000  }
0x15: {  	s9 =	simm.s32 $0x3F;
	[sflag:s7] =	ssyncset.done $0x0  }
.LBB2_4:
0x16: {  	p0 =	sne.s32 s9, $0x1;
	s9 =	sadd.s32 $0xFFFFFFFF, s9;
	[sflag:s7] =	ssyncadd.s32 $0xFFFF0000  }
.Ltmp1:
0x17: {  	(pc) =	sbr.rel @p0 .LBB2_4-.Ltmp1, $3  }
0x18: {  	_ =	sdelay $0x1  }
0x19: {  	_ =	swait.ge [sflag:s7], $0x10000  }
0x1a: {  	[sflag:s7] =	ssyncset.done $0x0  }
0x1b: {  	s8 =	sadd.s32 $0x1, s8  }
0x1c: {  	p0 =	sne.s32 s8, s4  }
.Ltmp2:
0x1d: {  	_ = 	snop;
	(pc) =	sbr.rel @p0 .LBB2_1-.Ltmp2, $2  }
0x1e: {  	_ =	sdelay $0x2  }
0x1f: {  	[sflag:s7] =	ssyncadd.s32 $0xFFFF0000  }
0x20: {  	_ =	sfence.sel $0x180000  }
0x21: {  	[bflag:$0x0] =	sbarrier.arrive $0xFFFF  }
0x22: {  	p0 =	sne.s32 s0, $0x0;
	_ =	strace $0x90000047  }
0x23: {  	s0 =	sadd.s32 @!p0 $0x100000, s1;
	[bflag:$0x2] =	sbarrier.arrive $0xFFFF  }
0x24: {  	[sflag:s0] =	ssyncadd.tile.s32 @!p0 $0x1;
	_ =	shalt  }
.Lfunc_end2:
_tile_overlayer_lowered:
.L_overlay_start_2:
0x25: {  	(tag) =	ssettag $0x2  }
0x26: {  	s0 =	rddreg [dreg:$0x0];
	s2 =	stileid.u32  }
0x27: {  	s1 =	rddreg [dreg:$0x1];
	p0 =	sne.s32 s2, $0x0  }
0x28: {  	s3 =	rddreg [dreg:$0x2];
	[bflag:$0x3] =	sbarrier.arrive $0xFFFF;
	s2 =	simm.s32 @!p0 $0x1C02  }
0x29: {  	[timem:s3], [sflag:s2] =	dma.local @!p0 [hbm:s0], s1  }
0x2a: {  	s0 =	simm.s32 @!p0 $0x2  }
0x2b: {  	_ =	swait.ge @!p0 [sflag:s0], s1  }
0x2c: {  	s1 =	ssub.s32 @!p0 $0x0, s1;
	[sflag:s0] =	ssyncset.done @!p0 $0x0  }
0x2d: {  	[sflag:s0] =	ssyncadd.s32 @!p0 s1  }
0x2e: {  	[bflag:$0x3] =	sbarrier.arrive $0xFFFF  }
0x2f: {  	_ =	shalt  }

// kernel: sparse-core-data-format-call.cloned.1.call-start
scs
called_computation_lowered:
.L_overlay_start_0:
0x0: {  	s2 =	sld [smem:$0x3FD9]  }
0x1: {  	s3 =	sld [smem:$0x3FFE];
	_ =	sdelay $0x1  }
0x2: {  	s1 =	srdreg.scid  }
0x3: {  	s0 =	sand.u32 $0x1, s1  }
0x4: {  	s18 =	sshll.u32 s0, $0xA;
	s2 =	sadd.s32 s3, s2  }
0x5: {  	s2 =	sadd.s32 s2, s18  }
0x6: {  	[smem:$0x3FC7] =	sst s2  }
0x7: {  	_ = 	snop  }
0x8: {  	s2 =	sld [smem:$0x3FD0];
	(tm) =	ssettm $0x1  }
0x9: {  	s19 =	sld [smem:$0x3FFB];
	_ =	sdelay $0x3  }
0xa: {  	_ =	strace s19  }
0xb: {  	s3 =	sld [smem:$0x3FFC];
	_ =	sdelay $0x3  }
0xc: {  	_ =	strace s3  }
0xd: {  	s3 =	sld [smem:$0x3FFD];
	_ =	sdelay $0x3  }
0xe: {  	_ =	strace s3  }
0xf: {  	_ =	strace $0x8FFFFFFF  }
0x10: {  	s20 =	sld [smem:$0x3FDB];
	_ =	sdelay $0x1  }
0x11: {  	s4 =	simm.s32 $_scs_section_size  }
0x12: {  	s5 =	simm.s32 $_size__tile_overlayer_lowered;
	s6 =	simm.s32 $_tile_overlayer_lowered  }
0x13: {  	s23 =	simm.s32 $0x1BFF;
	s22 =	sshll.u32 s6, $0x1;
	s3 =	sadd.s32 s4, s20  }
0x14: {  	s7 =	simm.s32 $0x0;
	s21 =	sshll.u32 s5, $0x1;
	s5 =	sadd.s32 s22, s3  }
0x15: {  	[timem:s7], [sflag:s23] =	dma.local [hbm:s5], s21  }
0x16: {  	_ =	swait.ge [sflag:s23], s21  }
0x17: {  	s4 =	ssub.s32 $0x0, s21;
	[sflag:s23] =	ssyncset.done $0x0  }
0x18: {  	[sflag:s23] =	ssyncadd.s32 s4;
	_ =	sdelay $0x1  }
0x19: {  	s24 =	simm.s32 $0x1B8B  }
0x1a: {  	_ =	swait.ge [sflag:s24], $0x1  }
0x1b: {  	[sflag:s24] =	ssyncset.done $0x0  }
0x1c: {  	s26 =	simm.s32 $0x1B8E;
	s25 =	sld [smem:$0x3FFE];
	[sflag:s24] =	ssyncadd.s32 $0xFFFFFFFF  }
0x1d: {  	s27 =	simm.s32 $execute0_lowered;
	[smem:$0x3FD2] =	sst s26  }
0x1e: {  	s5 =	sshll.u32 s27, $0x1;
	_ =	strace $0x80000049;
	[dreg:$0x1] =	wrdreg $0xFFFFFFFF  }
0x1f: {  	s28 =	simm.s32 $_size_execute0_lowered;
	s3 =	sadd.s32 s3, s5;
	[dreg:$0x0] =	wrdreg $0x0  }
0x20: {  	s5 =	sshll.u32 s28, $0x1;
	[dreg:$0x2] =	wrdreg s3  }
0x21: {  	[dreg:$0x3] =	wrdreg s5  }
0x22: {  	[dreg:$0x4] =	wrdreg $0xC0  }
0x23: {  	_ =	task [dreg:s7], $0x5FFFF  }
0x24: {  	[dreg:$0x1] =	wrdreg $0xFFFFFFFF  }
0x25: {  	[dreg:$0x0] =	wrdreg $0x60  }
0x26: {  	[dreg:$0x2] =	wrdreg s25  }
0x27: {  	[dreg:$0x3] =	wrdreg s2  }
0x28: {  	[dreg:$0x4] =	wrdreg $0x9  }
0x29: {  	_ =	task.clear_ibuf [dreg:s7], $0x5FFFF;
	_ =	strace $0x90000049  }
0x2a: {  	s29 =	simm.s32 $0x9;
	_ =	strace $0x8000004B  }
0x2b: {  	_ =	swait.ge [sflag:s29], $0x1  }
0x2c: {  	[sflag:s29] =	ssyncadd.s32 $0xFFFFFFFF  }
0x2d: {  	_ =	strace $0x9000004B  }
0x2e: {  	_ =	sfence  }
0x2f: {  	s30 =	sld [smem:$0x0];
	_ =	sdelay $0x2  }
0x30: {  	s31 =	sshll.u32 s1, $0xD;
	s1 =	sshrl.u32 s1, $0x2  }
0x31: {  	s3 =	sand.u32 $0x4000, s31;
	s1 =	sadd.s32 s1, s30  }
0x32: {  	s0 =	sor.u32 s3, s0;
	s1 =	sshll.u32 s1, $0x11  }
0x33: {  	s0 =	sor.u32 s1, s0  }
0x34: {  	s0 =	sadd.s32 $0x8F2B, s0  }
0x35: {  	[sflag:s0] =	ssyncadd.remote.s32 $0x1  }
0x36: {  	_ =	sfence.sel $0xFFFF  }
0x37: {  	[dreg:$0x0] =	wrdreg $0xFFFFFFFF;
	(pc) =	sbr.abs _section_cstart, $3  }
0x38: {  	[dreg:$0x1] =	wrdreg $0xFFFFFFFF  }
0x39: {  	_ =	task.clear_ibuf [dreg:s7], $0x2FFFF;
	_ =	strace $0x9FFFFFFF  }
0x3a: {  	(tm) =	ssettm $0x7FFFFFFF  }
0x3b: {  	_ =	shalt  }
tec
execute0_lowered:
.L_overlay_start_1:
0x0: {  	(tag) =	ssettag $0x1  }
0x1: {  	s0 =	stileid.u32  }
0x2: {  	s2 =	srdreg.scid;
	s5 =	rddreg [dreg:$0x0]  }
0x3: {  	s6 =	simm.s32 $0x1;
	s31 =	simm.s32 $0x2;
	s14 =	simm.s32 $0x0  }
0x4: {  	s9 =	simm.s32 $0x10000;
	s16 =	simm.s32 $0x0;
	s1 =	sshll.u32 s0, $0x7  }
0x5: {  	s15 =	simm.s32 $0x0;
	s10 =	simm.s32 $0x0;
	s3 =	ssub.s32 $0x800, s1  }
0x6: {  	s13 =	simm.s32 $0x0;
	s2 =	sand.u32 $0x1, s2;
	s4 =	sand.u32 $0x780, s3  }
0x7: {  	s5 =	sadd.s32 $0x1000, s5;
	s7 =	ssub.s32 $0x20, s2;
	p0 =	sne.s32 s4, $0x0  }
0x8: {  	s3 =	sshrl.u32 s3, $0xB;
	s8 =	sshrl.u32 s7, $0x1;
	s6 =	simm.s32 @!p0 $0x0  }
.Ltmp0:
0x9: {  	s7 =	ssub.s32 s7, s8;
	s6 =	sadd.s32 s6, s3;
	(pc) =	sbr.rel .LBB1_1-.Ltmp0, $4  }
0xa: {  	s11 =	smov.u32 s2;
	s4 =	rddreg [dreg:$0x1];
	s7 =	smul.u32 s6, s7  }
0xb: {  	s3 =	rddreg [dreg:$0x2];
	_ =	strace $0x8000004A;
	s6 =	simm.s32 $0x1  }
0xc: {  	s12 =	smov.u32 s1;
	[sflag:s6] =	ssyncpa.u1 $0x0;
	s7 =	sshll.u32 s7, $0x4  }
0xd: {  	p0 =	por $0x0, $0x0;
	[sflag:s31] =	ssyncpa.u1 $0x0;
	s8 =	sor.u32 $0x1, s7  }
.LBB1_4:
0xe: {  	v5 =	vld [tilespmem:s19+$0xFFFFFFD0];
	[tilespmem:s20+$0x2040 ss:$0x81] =	vst.msk $0xffff, v1  }
0xf: {  	v58 =	vld [tilespmem:s19+$0xFFFFFFE0];
	[tilespmem:s20+$0x2850 ss:$0x81] =	vst.msk $0xffff, v2  }
0x10: {  	s21 =	sshra.s32 s21, $0x2;
	v59 =	vld [tilespmem:s19+$0xFFFFFFF0];
	[tilespmem:s20+$0x3060 ss:$0x81] =	vst.msk $0xffff, v3  }
0x11: {  	v60 =	vld [tilespmem:s19+$0x0];
	[tilespmem:s20+$0x0 ss:$0x81] =	vst.msk $0xffff, v0;
	s18 =	sadd.s32 s21, s18  }
0x12: {  	v61 =	vld [tilespmem:s19+$0x10];
	s26 =	sshll.u32 s16, $0xB;
	[tilespmem:s18+$0x3870 ss:$0x81] =	vst.msk $0xffff, v4  }
0x13: {  	v62 =	vld [tilespmem:s19+$0x20];
	s27 =	sand.u32 $0x78, s15;
	s22 =	sshll.u32 s15, $0x3;
	s29 =	sshll.u32 s16, $0x7;
	[tilespmem:s18+$0x810 ss:$0x81] =	vst.msk $0xffff, v5  }
0x14: {  	v63 =	vld [tilespmem:s19+$0xFFFFFFC0];
	s14 =	sshll.u32 s14, $0xD;
	s20 =	sand.u32 $0xC000, s26;
	s28 =	sand.u32 $0xFC00, s22;
	[tilespmem:s18+$0x1020 ss:$0x81] =	vst.msk $0xffff, v58  }
0x15: {  	s31 =	sand.u32 $0x7, s15;
	s22 =	sand.u32 $0x400, s22;
	s19 =	sadd.s32 s28, s20;
	[tilespmem:s18+$0x1830 ss:$0x81] =	vst.msk $0xffff, v59  }
0x16: {  	s16 =	sand.u32 $0x380, s29;
	s30 =	sor.u32 s27, s22;
	s19 =	sshrl.u32 s19, $0x3;
	[tilespmem:s18+$0x2040 ss:$0x81] =	vst.msk $0xffff, v60  }
0x17: {  	s14 =	sadd.s32 s4, s14;
	s16 =	sor.u32 s16, s30;
	s19 =	sand.u32 $0x1F00, s19;
	[tilespmem:s18+$0x2850 ss:$0x81] =	vst.msk $0xffff, v61  }
0x18: {  	s15 =	sshll.u32 s31, $0x12;
	s16 =	sshrl.u32 s16, $0x3;
	[tilespmem:s18+$0x3060 ss:$0x81] =	vst.msk $0xffff, v62;
	s14 =	sadd.s32 s19, s14  }
0x19: {  	s15 =	sor.u32 $0x80, s15;
	[tilespmem:s18+$0x0 ss:$0x81] =	vst.msk $0xffff, v63;
	s14 =	sadd.s32 s16, s14  }
0x1a: {  	[hbm4b:s14+s15] =	stream.strided.scatter [tilespmem:s17], [sflag:$0x2], $0x4000, s9, s15, $0x20;
	[tilespmem:$0x10100] =	vst v63  }
.LBB1_5:
0x1b: {  	s17 =	sadd.s32 $0x80, s10  }
0x1c: {  	s14 =	sadd.s32 $0x2, s11;
	s18 =	smov.u32 s11;
	p2 =	sgt.s32 s17, $0x7FF  }
0x1d: {  	s18 =	smov.u32 @p2 s14  }
0x1e: {  	s20 =	smov.u32 s12;
	s14 =	sadd.s32 $0x800, s12;
	p3 =	sgt.s32 s18, $0x1F  }
0x1f: {  	s20 =	smov.u32 @p3 s14  }
0x20: {  	s17 =	simm.s32 @p2 $0x0;
	p2 =	sgt.s32 s20, $0x7FF  }
0x21: {  	p1 =	slt.u32 s13, $0x2;
	s20 =	smov.u32 @p2 s1;
	p2 =	sne.s32 s13, s8  }
.Ltmp1:
0x22: {  	s19 =	simm.s32 @!p1 $0x2;
	(pc) =	sbr.rel @!p2 .LBB1_6-.Ltmp1, $4  }
0x23: {  	s16 =	smov.u32 s11;
	s15 =	smov.u32 s12;
	_ =	swait.ge @!p1 [sflag:s19], $0x4000  }
0x24: {  	p0 =	por !p0, !p0;
	[sflag:s19] =	ssyncset.done @!p1 $0x0;
	s18 =	smov.u32 @p3 s2  }
0x25: {  	s14 =	smov.u32 s10;
	[sflag:s19] =	ssyncadd.s32 @!p1 $0xFFFFC000;
	s10 =	smov.u32 s17  }
0x26: {  	s11 =	smov.u32 s18;
	s13 =	sadd.s32 $0x1, s13;
	s12 =	smov.u32 s20  }
.LBB1_1:
0x27: {  	p1 =	sge.u32 s13, s7;
	s31 =	sadd.s32 $0xFFFFFFFF, s13  }
0x28: {  	s17 =	sxor.u32 @!p1 $0xFFFFFFFF, s13;
	s18 =	sand.u32 @!p1 $0x78, s10;
	s19 =	sshll.u32 @!p1 s11, $0xB  }
0x29: {  	s20 =	sshll.u32 @!p1 s11, $0x7;
	s21 =	sshll.u32 @!p1 s10, $0x3;
	s17 =	sshll.u32 @!p1 s17, $0xE  }
0x2a: {  	s19 =	sand.u32 @!p1 $0xC000, s19;
	s20 =	sand.u32 @!p1 $0x380, s20;
	s17 =	sand.u32 @!p1 $0x4000, s17  }
0x2b: {  	s19 =	sadd.s32 @!p1 s19, s21;
	s21 =	sand.u32 @!p1 $0x400, s21;
	s18 =	sor.u32 @!p1 s20, s18  }
0x2c: {  	s20 =	sshll.u32 @!p1 s12, $0xD;
	s18 =	sor.u32 @!p1 s21, s18;
	s19 =	sshrl.u32 @!p1 s19, $0x3  }
0x2d: {  	s20 =	sadd.s32 @!p1 s5, s20;
	s21 =	sand.u32 @!p1 $0x7, s10;
	s19 =	sand.u32 @!p1 $0x1F00, s19  }
0x2e: {  	s18 =	sshrl.u32 @!p1 s18, $0x3;
	s19 =	sadd.s32 @!p1 s19, s20;
	s20 =	sshll.u32 @!p1 s21, $0x12  }
0x2f: {  	s18 =	sadd.s32 @!p1 s18, s19;
	s19 =	sor.u32 @!p1 $0x80, s20;
	s20 =	simm.s32 @!p1 $0x10000  }
0x30: {  	[tilespmem:s17], [sflag:$0x1] =	stream.strided.gather @!p1 [hbm4b:s18+s19], $0x4000, s20, s19, $0x38;
	[tilespmem:$0x10100] =	vst v63  }
0x31: {  	p1 =	sge.u32 s31, s7  }
.Ltmp2:
0x32: {  	_ = 	snop;
	(pc) =	sbr.rel @p1 .LBB1_5-.Ltmp2, $1  }
0x33: {  	_ =	sdelay $0x3  }
0x34: {  	s17 =	simm.s32 $0x1  }
0x35: {  	_ =	swait.ge [sflag:s6], $0x4000;
	s17 =	simm.s32 @!p0 $0x0  }
0x36: {  	[sflag:s6] =	ssyncset.done $0x0;
	s18 =	sshll.u32 s17, $0xE  }
0x37: {  	[sflag:s6] =	ssyncadd.s32 $0xFFFFC000;
	s19 =	sor.u32 $0x40, s18  }
0x38: {  	s17 =	smul.u32 $0x10200, s17;
	v0 =	vld [tilespmem:s19+$0x30]  }
0x39: {  	v3 =	vld [tilespmem:s19+$0xFFFFFFD0]  }
0x3a: {  	s17 =	sshrl.u32 s17, $0x2;
	v4 =	vld [tilespmem:s19+$0xFFFFFFE0]  }
0x3b: {  	v5 =	vld [tilespmem:s19+$0xFFFFFFF0];
	s18 =	sor.u32 $0x8000, s17  }
0x3c: {  	s31 =	sand.u32 $0x1, s13;
	v1 =	vld [tilespmem:s19+$0x0];
	s20 =	sadd.s32 $0x0, s18  }
0x3d: {  	v2 =	vld [tilespmem:s19+$0x10];
	s17 =	smul.u32 $0x10200, s31;
	[tilespmem:s20+$0x3870 ss:$0x81] =	vst.msk $0xffff, v0  }
0x3e: {  	[tilespmem:s20+$0x810 ss:$0x81] =	vst.msk $0xffff, v3;
	v3 =	vld [tilespmem:s19+$0x20]  }
0x3f: {  	s17 =	sshrl.u32 s17, $0x2;
	v0 =	vld [tilespmem:s19+$0xFFFFFFC0];
	[tilespmem:s20+$0x1020 ss:$0x81] =	vst.msk $0xffff, v4;
	s19 =	sadd.s32 $0x80, s19  }
0x40: {  	s21 =	simm.s32 $0x4;
	s22 =	simm.s32 $0x8;
	s17 =	sor.u32 $0x8000, s17;
	[tilespmem:s20+$0x1830 ss:$0x81] =	vst.msk $0xffff, v5;
	v4 =	vld [tilespmem:s19+$0x30]  }
.LBB1_3:
0x41: {  	p1 =	sne.s32 s22, $0x1FC;
	v5 =	vld [tilespmem:s19+$0xFFFFFFD0];
	[tilespmem:s20+$0x2040 ss:$0x81] =	vst.msk $0xffff, v1  }
0x42: {  	v6 =	vld [tilespmem:s19+$0xFFFFFFE0];
	[tilespmem:s20+$0x2850 ss:$0x81] =	vst.msk $0xffff, v2  }
0x43: {  	s23 =	sshra.s32 s21, $0x2;
	s21 =	smov.u32 s22;
	v7 =	vld [tilespmem:s19+$0xFFFFFFF0];
	[tilespmem:s20+$0x3060 ss:$0x81] =	vst.msk $0xffff, v3  }
.Ltmp3:
0x44: {  	v1 =	vld [tilespmem:s19+$0x0];
	[tilespmem:s20+$0x0 ss:$0x81] =	vst.msk $0xffff, v0;
	s20 =	sadd.s32 s23, s18;
	(pc) =	sbr.rel @p1 .LBB1_3-.Ltmp3, $4  }
0x45: {  	v2 =	vld [tilespmem:s19+$0x10];
	[tilespmem:s20+$0x3870 ss:$0x81] =	vst.msk $0xffff, v4  }
0x46: {  	[tilespmem:s20+$0x810 ss:$0x81] =	vst.msk $0xffff, v5;
	v3 =	vld [tilespmem:s19+$0x20]  }
0x47: {  	v0 =	vld [tilespmem:s19+$0xFFFFFFC0];
	[tilespmem:s20+$0x1020 ss:$0x81] =	vst.msk $0xffff, v6;
	s19 =	sadd.s32 $0x80, s19  }
0x48: {  	s22 =	sadd.s32 $0x4, s22;
	v4 =	vld [tilespmem:s19+$0x30];
	[tilespmem:s20+$0x1830 ss:$0x81] =	vst.msk $0xffff, v7  }
.Ltmp4:
0x49: {  	_ = 	snop;
	(pc) =	sbr.rel .LBB1_4-.Ltmp4, $1  }
0x4a: {  	_ =	sdelay $0x3  }
.LBB1_6:
0x4b: {  	_ =	sfence.sel $0x180000  }
0x4c: {  	s1 =	simm.s32 $0x1;
	[bflag:$0x0] =	sbarrier.arrive $0xFFFF  }
0x4d: {  	s31 =	simm.s32 $0x2;
	[sflag:s1] =	ssyncpa.u1 $0x1  }
0x4e: {  	[sflag:s31] =	ssyncpa.u1 $0x1  }
0x4f: {  	p0 =	sne.s32 s0, $0x0;
	_ =	strace $0x9000004A  }
0x50: {  	s0 =	sadd.s32 @!p0 $0x100000, s3;
	[bflag:$0x2] =	sbarrier.arrive $0xFFFF  }
0x51: {  	[sflag:s0] =	ssyncadd.tile.s32 @!p0 $0x1;
	_ =	shalt  }
.Lfunc_end1:
_tile_overlayer_lowered:
.L_overlay_start_2:
0x52: {  	(tag) =	ssettag $0x2  }
0x53: {  	s0 =	rddreg [dreg:$0x0];
	s2 =	stileid.u32  }
0x54: {  	s1 =	rddreg [dreg:$0x1];
	p0 =	sne.s32 s2, $0x0  }
0x55: {  	s3 =	rddreg [dreg:$0x2];
	[bflag:$0x3] =	sbarrier.arrive $0xFFFF;
	s2 =	simm.s32 @!p0 $0x1C01  }
0x56: {  	[timem:s3], [sflag:s2] =	dma.local @!p0 [hbm:s0], s1  }
0x57: {  	s0 =	simm.s32 @!p0 $0x1  }
0x58: {  	_ =	swait.ge @!p0 [sflag:s0], s1  }
0x59: {  	s1 =	ssub.s32 @!p0 $0x0, s1;
	[sflag:s0] =	ssyncset.done @!p0 $0x0  }
0x5a: {  	[sflag:s0] =	ssyncadd.s32 @!p0 s1  }
0x5b: {  	[bflag:$0x3] =	sbarrier.arrive $0xFFFF  }
0x5c: {  	_ =	shalt  }

</sc_bundles>
